<compile_context>
chip_gen: v7x
topology: tpu7x:2x2x1
jax: 0.10.2.dev20260603
libtpu: 0.0.44.dev20260713+nightly
codegen_flags: <defaults>
</compile_context>

<pallas_src>
import functools

import jax
import jax.numpy as jnp
from jax import lax
from jax.experimental import pallas as pl
from jax.experimental.pallas import tpu as pltpu
from jax.experimental.pallas import tpu_sc as plsc

EMBED_DIM = 64
PAIR_DIM = 2 * EMBED_DIM
IDX_CHUNK = 128
NW = 32
PAIR_W = 8192


def _cdiv(a, b):
    return (a + b - 1) // b


def _pairize_body(t1_ref, t2_ref, out_ref):
    a = t1_ref[...].T
    b = t2_ref[...].T
    out_ref[...] = jnp.concatenate([a, b], axis=1)


def _pairize(tabT, n_rows):
    n_blocks = _cdiv(_cdiv(n_rows, 2), PAIR_W)
    half = n_blocks
    last = _cdiv(n_rows, PAIR_W) - 1
    out = pl.pallas_call(
        _pairize_body,
        grid=(n_blocks,),
        in_specs=[
            pl.BlockSpec((EMBED_DIM, PAIR_W), lambda i: (0, i)),
            pl.BlockSpec((EMBED_DIM, PAIR_W),
                         lambda i: (0, jnp.minimum(half + i, last))),
        ],
        out_specs=pl.BlockSpec((PAIR_W, PAIR_DIM), lambda i: (i, 0)),
        out_shape=jax.ShapeDtypeStruct((n_blocks * PAIR_W, PAIR_DIM),
                                       jnp.float32),
    )(tabT, tabT)
    return out, n_blocks * PAIR_W


def _make_gather_kernel(batch):
    chunks_per_worker = batch // (NW * IDX_CHUNK)
    rows_per_worker = chunks_per_worker * IDX_CHUNK
    mesh = plsc.VectorSubcoreMesh(core_axis_name="c", subcore_axis_name="s")

    @functools.partial(
        pl.kernel,
        out_type=(
            jax.ShapeDtypeStruct((batch, PAIR_DIM), jnp.float32),
            jax.ShapeDtypeStruct((batch, PAIR_DIM), jnp.float32),
        ),
        mesh=mesh,
        scratch_types=[
            pltpu.VMEM((batch // (NW * IDX_CHUNK), IDX_CHUNK), jnp.int32),
            pltpu.VMEM((batch // (NW * IDX_CHUNK), IDX_CHUNK), jnp.int32),
            pltpu.VMEM((batch // NW, PAIR_DIM), jnp.float32),
            pltpu.SemaphoreType.DMA,
        ],
    )
    def gather_kernel(uidx_hbm, aidx_hbm, utab2_hbm, atab2_hbm,
                      uout_hbm, aout_hbm,
                      uidx_v, aidx_v, rows_v, sem):
        wid = lax.axis_index("s") * 2 + lax.axis_index("c")
        crow = wid * chunks_per_worker
        base = wid * rows_per_worker
        pltpu.sync_copy(uidx_hbm.at[pl.ds(crow, chunks_per_worker)], uidx_v)
        pltpu.sync_copy(aidx_hbm.at[pl.ds(crow, chunks_per_worker)], aidx_v)
        copies = []
        for j in range(chunks_per_worker):
            copies.append(pltpu.async_copy(
                utab2_hbm.at[uidx_v.at[j]],
                rows_v.at[pl.ds(j * IDX_CHUNK, IDX_CHUNK)], sem))
        for c in copies:
            c.wait()
        pltpu.sync_copy(rows_v, uout_hbm.at[pl.ds(base, rows_per_worker)])
        copies = []
        for j in range(chunks_per_worker):
            copies.append(pltpu.async_copy(
                atab2_hbm.at[aidx_v.at[j]],
                rows_v.at[pl.ds(j * IDX_CHUNK, IDX_CHUNK)], sem))
        for c in copies:
            c.wait()
        pltpu.sync_copy(rows_v, aout_hbm.at[pl.ds(base, rows_per_worker)])

    return gather_kernel


def _make_mlp_body(h_user, h_anime):
    def _mlp_body(upair_ref, apair_ref, uid_ref, aid_ref,
                  w1u_ref, w1a_ref, b1_ref, w2_ref, b2_ref, w3_ref, out_ref):
        up = upair_ref[...]
        ap = apair_ref[...]
        usel = uid_ref[...] >= h_user
        asel = aid_ref[...] >= h_anime
        u = jnp.where(usel, up[:, EMBED_DIM:], up[:, :EMBED_DIM])
        a = jnp.where(asel, ap[:, EMBED_DIM:], ap[:, :EMBED_DIM])
        h1 = jnp.dot(u, w1u_ref[...], preferred_element_type=jnp.float32)
        h1 = h1 + jnp.dot(a, w1a_ref[...], preferred_element_type=jnp.float32)
        h1 = jnp.maximum(h1 + b1_ref[...], 0.0)
        h2 = jnp.dot(h1, w2_ref[...], preferred_element_type=jnp.float32)
        h2 = jnp.maximum(h2 + b2_ref[...], 0.0)
        out_ref[...] = jnp.sum(h2 * w3_ref[...], axis=1)
    return _mlp_body


def _mlp(upairs, apairs, user_id, anime_id, h_user, h_anime,
         W1, b1, W2, b2, W3, block_b):
    batch = upairs.shape[0]
    grid = (batch // block_b,)
    full = lambda i: (0, 0)
    out = pl.pallas_call(
        _make_mlp_body(h_user, h_anime),
        grid=grid,
        in_specs=[
            pl.BlockSpec((block_b, PAIR_DIM), lambda i: (i, 0)),
            pl.BlockSpec((block_b, PAIR_DIM), lambda i: (i, 0)),
            pl.BlockSpec((block_b, 1), lambda i: (i, 0)),
            pl.BlockSpec((block_b, 1), lambda i: (i, 0)),
            pl.BlockSpec((EMBED_DIM, 128), full),
            pl.BlockSpec((EMBED_DIM, 128), full),
            pl.BlockSpec((1, 128), full),
            pl.BlockSpec((128, EMBED_DIM), full),
            pl.BlockSpec((1, EMBED_DIM), full),
            pl.BlockSpec((1, EMBED_DIM), full),
        ],
        out_specs=pl.BlockSpec((block_b,), lambda i: (i,)),
        out_shape=jax.ShapeDtypeStruct((batch,), jnp.float32),
    )(upairs, apairs, user_id[:, None], anime_id[:, None],
      W1[:EMBED_DIM], W1[EMBED_DIM:],
      b1.reshape(1, 128), W2, b2.reshape(1, EMBED_DIM),
      W3.reshape(1, EMBED_DIM))
    return out


def kernel(user_id, anime_id, user_table, anime_table, W1, b1, W2, b2, W3, b3):
    batch = user_id.shape[0]
    utab2, h_user = _pairize(user_table.T, user_table.shape[0])
    atab2, h_anime = _pairize(anime_table.T, anime_table.shape[0])
    uidx = jnp.where(user_id < h_user, user_id, user_id - h_user)
    aidx = jnp.where(anime_id < h_anime, anime_id, anime_id - h_anime)
    gk = _make_gather_kernel(batch)
    upairs, apairs = gk(uidx.reshape(-1, IDX_CHUNK),
                        aidx.reshape(-1, IDX_CHUNK),
                        utab2, atab2)
    out = _mlp(upairs, apairs, user_id, anime_id, h_user, h_anime,
               W1, b1, W2, b2, W3, block_b=2048)
    return out[:, None] + b3

# --- scband reference (transcript-rebuilt; emitter-appended) ---
"""Pipeline reference for scband-collaborative-filtering-model-63007170232474 (READ-ONLY COPY).

The authoritative reference and input builder live on the scoring server;
editing this copy changes nothing except your own understanding.
"""

import jax, jax.numpy as jnp
import numpy as np

NUM_USERS = 1000000
NUM_ANIMES = 100000
EMBED_DIM = 64
BATCH = 16384


def setup_inputs(seed: int = 0) -> dict:
    key = jax.random.key(seed)
    ks = jax.random.split(key, 10)
    user_id = jax.random.randint(ks[0], (BATCH,), 0, NUM_USERS, dtype=jnp.int64 if jax.config.jax_enable_x64 else jnp.int32).astype(jnp.int32)
    anime_id = jax.random.randint(ks[1], (BATCH,), 0, NUM_ANIMES, dtype=jnp.int32)
    user_table = jax.random.normal(ks[2], (NUM_USERS, EMBED_DIM), dtype=jnp.float32) * 0.05
    anime_table = jax.random.normal(ks[3], (NUM_ANIMES, EMBED_DIM), dtype=jnp.float32) * 0.05
    W1 = jax.random.normal(ks[4], (2 * EMBED_DIM, 128), dtype=jnp.float32) * (1.0 / np.sqrt(2 * EMBED_DIM))
    b1 = jnp.zeros((128,), dtype=jnp.float32)
    W2 = jax.random.normal(ks[5], (128, 64), dtype=jnp.float32) * (1.0 / np.sqrt(128))
    b2 = jnp.zeros((64,), dtype=jnp.float32)
    W3 = jax.random.normal(ks[6], (64, 1), dtype=jnp.float32) * (1.0 / np.sqrt(64))
    b3 = jnp.zeros((1,), dtype=jnp.float32)
    return {
        "user_id": user_id,
        "anime_id": anime_id,
        "user_table": user_table,
        "anime_table": anime_table,
        "W1": W1, "b1": b1,
        "W2": W2, "b2": b2,
        "W3": W3, "b3": b3,
    }


def reference(user_id, anime_id, user_table, anime_table, W1, b1, W2, b2, W3, b3):
    # Embedding lookups (SparseCore gather)
    user_vector = jnp.take(user_table, user_id, axis=0)   # [B, D]
    anime_vector = jnp.take(anime_table, anime_id, axis=0)  # [B, D]
    x = jnp.concatenate([user_vector, anime_vector], axis=1)  # [B, 2D]
    x = jax.nn.relu(x @ W1 + b1)
    # dropout1: identity at inference
    x = jax.nn.relu(x @ W2 + b2)
    # dropout2: identity at inference
    out = x @ W3 + b3  # [B, 1]
    return out

if __name__ == "__main__":
    import jax
    _d = setup_inputs()
    print(jax.jit(kernel)(*tuple(_d.values())))

</pallas_src>

<mosaic_0001>
#map = affine_map<(d0, d1) -> (0, 0)>
module attributes {stable_mosaic.version = 14 : i64} {
  func.func @gather_kernel(%arg0: i32, %arg1: i32, %arg2: memref<128x128xi32, #tpu.memory_space<hbm>>, %arg3: memref<128x128xi32, #tpu.memory_space<hbm>>, %arg4: memref<507904x128xf32, #tpu.memory_space<hbm>>, %arg5: memref<57344x128xf32, #tpu.memory_space<hbm>>, %arg6: memref<16384x128xf32, #tpu.memory_space<hbm>>, %arg7: memref<16384x128xf32, #tpu.memory_space<hbm>>, %arg8: memref<4x128xi32, #tpu.memory_space<vmem>>, %arg9: memref<4x128xi32, #tpu.memory_space<vmem>>, %arg10: memref<512x128xf32, #tpu.memory_space<vmem>>, %arg11: memref<!tpu.dma_semaphore, #tpu.memory_space<semaphore_mem>>) attributes {dimension_semantics = [#tpu.dimension_semantics<core_parallel>, #tpu.dimension_semantics<subcore_parallel>], iteration_bounds = array<i64: 2, 16>, scalar_prefetch = 0 : i64, scratch_operands = 4 : i64, tpu.core_type = #tpu.core_type<sc_vector_subcore>, window_params = [{transform_indices = #map}, {transform_indices = #map}, {transform_indices = #map}, {transform_indices = #map}, {transform_indices = #map}, {transform_indices = #map}]} {
    %mul3A = arith.constant 2 : i32
    %mul3A_0 = arith.muli %arg1, %mul3A : i32
    %add3A = arith.addi %mul3A_0, %arg0 : i32
    %mul3A_1 = arith.constant 4 : i32
    %mul3A_2 = arith.muli %add3A, %mul3A_1 : i32
    %mul3A_3 = arith.constant 512 : i32
    %mul3A_4 = arith.muli %add3A, %mul3A_3 : i32
    "tpu.region"() ({
      %run_scoped3A = tpu.sem_alloc : memref<!tpu.dma_semaphore, #tpu.memory_space<semaphore_mem>>
      %dma_start3A_163 = arith.constant 0 : i32
      %dma_start3A_164 = tpu.memref_slice %arg2[%mul3A_2, %dma_start3A_163] : memref<128x128xi32, #tpu.memory_space<hbm>> -> memref<4x128xi32, #tpu.memory_space<hbm>>
      %dma_start3A_165 = arith.constant 0 : i32
      %dma_start3A_166 = tpu.memref_slice %arg2[%mul3A_2, %dma_start3A_165] : memref<128x128xi32, #tpu.memory_space<hbm>> -> memref<4x128xi32, #tpu.memory_space<hbm>>
      tpu.enqueue_dma source(%dma_start3A_166 : memref<4x128xi32, #tpu.memory_space<hbm>>) target(%arg8 : memref<4x128xi32, #tpu.memory_space<vmem>>) target_semaphore(%run_scoped3A : memref<!tpu.dma_semaphore, #tpu.memory_space<semaphore_mem>>)
      %dma_wait3A_167 = arith.constant 0 : i32
      %dma_wait3A_168 = tpu.memref_slice %arg2[%mul3A_2, %dma_wait3A_167] : memref<128x128xi32, #tpu.memory_space<hbm>> -> memref<4x128xi32, #tpu.memory_space<hbm>>
      %dma_wait3A_169 = arith.constant 0 : i32
      %dma_wait3A_170 = tpu.memref_slice %arg2[%mul3A_2, %dma_wait3A_169] : memref<128x128xi32, #tpu.memory_space<hbm>> -> memref<4x128xi32, #tpu.memory_space<hbm>>
      tpu.wait_dma2 semaphore(%run_scoped3A : memref<!tpu.dma_semaphore, #tpu.memory_space<semaphore_mem>>) src(%dma_wait3A_170 : memref<4x128xi32, #tpu.memory_space<hbm>>) dst(%arg8 : memref<4x128xi32, #tpu.memory_space<vmem>>)
      tpu.yield
    }) : () -> ()
    "tpu.region"() ({
      %run_scoped3A = tpu.sem_alloc : memref<!tpu.dma_semaphore, #tpu.memory_space<semaphore_mem>>
      %dma_start3A_163 = arith.constant 0 : i32
      %dma_start3A_164 = tpu.memref_slice %arg3[%mul3A_2, %dma_start3A_163] : memref<128x128xi32, #tpu.memory_space<hbm>> -> memref<4x128xi32, #tpu.memory_space<hbm>>
      %dma_start3A_165 = arith.constant 0 : i32
      %dma_start3A_166 = tpu.memref_slice %arg3[%mul3A_2, %dma_start3A_165] : memref<128x128xi32, #tpu.memory_space<hbm>> -> memref<4x128xi32, #tpu.memory_space<hbm>>
      tpu.enqueue_dma source(%dma_start3A_166 : memref<4x128xi32, #tpu.memory_space<hbm>>) target(%arg9 : memref<4x128xi32, #tpu.memory_space<vmem>>) target_semaphore(%run_scoped3A : memref<!tpu.dma_semaphore, #tpu.memory_space<semaphore_mem>>)
      %dma_wait3A_167 = arith.constant 0 : i32
      %dma_wait3A_168 = tpu.memref_slice %arg3[%mul3A_2, %dma_wait3A_167] : memref<128x128xi32, #tpu.memory_space<hbm>> -> memref<4x128xi32, #tpu.memory_space<hbm>>
      %dma_wait3A_169 = arith.constant 0 : i32
      %dma_wait3A_170 = tpu.memref_slice %arg3[%mul3A_2, %dma_wait3A_169] : memref<128x128xi32, #tpu.memory_space<hbm>> -> memref<4x128xi32, #tpu.memory_space<hbm>>
      tpu.wait_dma2 semaphore(%run_scoped3A : memref<!tpu.dma_semaphore, #tpu.memory_space<semaphore_mem>>) src(%dma_wait3A_170 : memref<4x128xi32, #tpu.memory_space<hbm>>) dst(%arg9 : memref<4x128xi32, #tpu.memory_space<vmem>>)
      tpu.yield
    }) : () -> ()
    %dma_start3A = arith.constant 0 : i32
    %dma_start3A_5 = arith.constant 0 : i32
    %dma_start3A_6 = arith.constant 0 : i32
    %dma_start3A_7 = tpu.memref_slice %arg10[%dma_start3A_5, %dma_start3A_6] : memref<512x128xf32, #tpu.memory_space<vmem>> -> memref<128x128xf32, #tpu.memory_space<vmem>>
    %dma_start3A_8 = arith.constant 0 : i32
    %dma_start3A_9 = tpu.memref_slice %arg8[%dma_start3A, %dma_start3A_8] : memref<4x128xi32, #tpu.memory_space<vmem>> -> memref<1x128xi32, #tpu.memory_space<vmem>>
    %dma_start3A_10 = tpu.memref_squeeze %dma_start3A_9 : memref<1x128xi32, #tpu.memory_space<vmem>> -> memref<128xi32, #tpu.memory_space<vmem>>
    %dma_start3A_11 = arith.constant 0 : i32
    %dma_start3A_12 = arith.constant 0 : i32
    %dma_start3A_13 = tpu.memref_slice %arg4[%dma_start3A_11, %dma_start3A_12] : memref<507904x128xf32, #tpu.memory_space<hbm>> -> memref<507904x128xf32, #tpu.memory_space<hbm>>
    tpu.enqueue_indirect_dma source(%dma_start3A_13 : memref<507904x128xf32, #tpu.memory_space<hbm>>) target(%dma_start3A_7 : memref<128x128xf32, #tpu.memory_space<vmem>>) offsets(%dma_start3A_10 : memref<128xi32, #tpu.memory_space<vmem>>) semaphore(%arg11 : memref<!tpu.dma_semaphore, #tpu.memory_space<semaphore_mem>>)
    %dma_start3A_14 = arith.constant 1 : i32
    %dma_start3A_15 = arith.constant 128 : i32
    %dma_start3A_16 = arith.constant 0 : i32
    %dma_start3A_17 = tpu.memref_slice %arg10[%dma_start3A_15, %dma_start3A_16] : memref<512x128xf32, #tpu.memory_space<vmem>> -> memref<128x128xf32, #tpu.memory_space<vmem>>
    %dma_start3A_18 = arith.constant 0 : i32
    %dma_start3A_19 = tpu.memref_slice %arg8[%dma_start3A_14, %dma_start3A_18] : memref<4x128xi32, #tpu.memory_space<vmem>> -> memref<1x128xi32, #tpu.memory_space<vmem>>
    %dma_start3A_20 = tpu.memref_squeeze %dma_start3A_19 : memref<1x128xi32, #tpu.memory_space<vmem>> -> memref<128xi32, #tpu.memory_space<vmem>>
    %dma_start3A_21 = arith.constant 0 : i32
    %dma_start3A_22 = arith.constant 0 : i32
    %dma_start3A_23 = tpu.memref_slice %arg4[%dma_start3A_21, %dma_start3A_22] : memref<507904x128xf32, #tpu.memory_space<hbm>> -> memref<507904x128xf32, #tpu.memory_space<hbm>>
    tpu.enqueue_indirect_dma source(%dma_start3A_23 : memref<507904x128xf32, #tpu.memory_space<hbm>>) target(%dma_start3A_17 : memref<128x128xf32, #tpu.memory_space<vmem>>) offsets(%dma_start3A_20 : memref<128xi32, #tpu.memory_space<vmem>>) semaphore(%arg11 : memref<!tpu.dma_semaphore, #tpu.memory_space<semaphore_mem>>)
    %dma_start3A_24 = arith.constant 2 : i32
    %dma_start3A_25 = arith.constant 256 : i32
    %dma_start3A_26 = arith.constant 0 : i32
    %dma_start3A_27 = tpu.memref_slice %arg10[%dma_start3A_25, %dma_start3A_26] : memref<512x128xf32, #tpu.memory_space<vmem>> -> memref<128x128xf32, #tpu.memory_space<vmem>>
    %dma_start3A_28 = arith.constant 0 : i32
    %dma_start3A_29 = tpu.memref_slice %arg8[%dma_start3A_24, %dma_start3A_28] : memref<4x128xi32, #tpu.memory_space<vmem>> -> memref<1x128xi32, #tpu.memory_space<vmem>>
    %dma_start3A_30 = tpu.memref_squeeze %dma_start3A_29 : memref<1x128xi32, #tpu.memory_space<vmem>> -> memref<128xi32, #tpu.memory_space<vmem>>
    %dma_start3A_31 = arith.constant 0 : i32
    %dma_start3A_32 = arith.constant 0 : i32
    %dma_start3A_33 = tpu.memref_slice %arg4[%dma_start3A_31, %dma_start3A_32] : memref<507904x128xf32, #tpu.memory_space<hbm>> -> memref<507904x128xf32, #tpu.memory_space<hbm>>
    tpu.enqueue_indirect_dma source(%dma_start3A_33 : memref<507904x128xf32, #tpu.memory_space<hbm>>) target(%dma_start3A_27 : memref<128x128xf32, #tpu.memory_space<vmem>>) offsets(%dma_start3A_30 : memref<128xi32, #tpu.memory_space<vmem>>) semaphore(%arg11 : memref<!tpu.dma_semaphore, #tpu.memory_space<semaphore_mem>>)
    %dma_start3A_34 = arith.constant 3 : i32
    %dma_start3A_35 = arith.constant 384 : i32
    %dma_start3A_36 = arith.constant 0 : i32
    %dma_start3A_37 = tpu.memref_slice %arg10[%dma_start3A_35, %dma_start3A_36] : memref<512x128xf32, #tpu.memory_space<vmem>> -> memref<128x128xf32, #tpu.memory_space<vmem>>
    %dma_start3A_38 = arith.constant 0 : i32
    %dma_start3A_39 = tpu.memref_slice %arg8[%dma_start3A_34, %dma_start3A_38] : memref<4x128xi32, #tpu.memory_space<vmem>> -> memref<1x128xi32, #tpu.memory_space<vmem>>
    %dma_start3A_40 = tpu.memref_squeeze %dma_start3A_39 : memref<1x128xi32, #tpu.memory_space<vmem>> -> memref<128xi32, #tpu.memory_space<vmem>>
    %dma_start3A_41 = arith.constant 0 : i32
    %dma_start3A_42 = arith.constant 0 : i32
    %dma_start3A_43 = tpu.memref_slice %arg4[%dma_start3A_41, %dma_start3A_42] : memref<507904x128xf32, #tpu.memory_space<hbm>> -> memref<507904x128xf32, #tpu.memory_space<hbm>>
    tpu.enqueue_indirect_dma source(%dma_start3A_43 : memref<507904x128xf32, #tpu.memory_space<hbm>>) target(%dma_start3A_37 : memref<128x128xf32, #tpu.memory_space<vmem>>) offsets(%dma_start3A_40 : memref<128xi32, #tpu.memory_space<vmem>>) semaphore(%arg11 : memref<!tpu.dma_semaphore, #tpu.memory_space<semaphore_mem>>)
    %dma_wait3A = arith.constant 0 : i32
    %dma_wait3A_44 = arith.constant 0 : i32
    %dma_wait3A_45 = arith.constant 0 : i32
    %dma_wait3A_46 = tpu.memref_slice %arg10[%dma_wait3A_44, %dma_wait3A_45] : memref<512x128xf32, #tpu.memory_space<vmem>> -> memref<128x128xf32, #tpu.memory_space<vmem>>
    %dma_wait3A_47 = arith.constant 0 : i32
    %dma_wait3A_48 = tpu.memref_slice %arg8[%dma_wait3A, %dma_wait3A_47] : memref<4x128xi32, #tpu.memory_space<vmem>> -> memref<1x128xi32, #tpu.memory_space<vmem>>
    %dma_wait3A_49 = tpu.memref_squeeze %dma_wait3A_48 : memref<1x128xi32, #tpu.memory_space<vmem>> -> memref<128xi32, #tpu.memory_space<vmem>>
    %dma_wait3A_50 = arith.constant 0 : i32
    %dma_wait3A_51 = arith.constant 0 : i32
    %dma_wait3A_52 = tpu.memref_slice %arg4[%dma_wait3A_50, %dma_wait3A_51] : memref<507904x128xf32, #tpu.memory_space<hbm>> -> memref<507904x128xf32, #tpu.memory_space<hbm>>
    tpu.wait_indirect_dma semaphore(%arg11 : memref<!tpu.dma_semaphore, #tpu.memory_space<semaphore_mem>>) src(%dma_wait3A_52 : memref<507904x128xf32, #tpu.memory_space<hbm>>) dst(%dma_wait3A_46 : memref<128x128xf32, #tpu.memory_space<vmem>>)
    %dma_wait3A_53 = arith.constant 1 : i32
    %dma_wait3A_54 = arith.constant 128 : i32
    %dma_wait3A_55 = arith.constant 0 : i32
    %dma_wait3A_56 = tpu.memref_slice %arg10[%dma_wait3A_54, %dma_wait3A_55] : memref<512x128xf32, #tpu.memory_space<vmem>> -> memref<128x128xf32, #tpu.memory_space<vmem>>
    %dma_wait3A_57 = arith.constant 0 : i32
    %dma_wait3A_58 = tpu.memref_slice %arg8[%dma_wait3A_53, %dma_wait3A_57] : memref<4x128xi32, #tpu.memory_space<vmem>> -> memref<1x128xi32, #tpu.memory_space<vmem>>
    %dma_wait3A_59 = tpu.memref_squeeze %dma_wait3A_58 : memref<1x128xi32, #tpu.memory_space<vmem>> -> memref<128xi32, #tpu.memory_space<vmem>>
    %dma_wait3A_60 = arith.constant 0 : i32
    %dma_wait3A_61 = arith.constant 0 : i32
    %dma_wait3A_62 = tpu.memref_slice %arg4[%dma_wait3A_60, %dma_wait3A_61] : memref<507904x128xf32, #tpu.memory_space<hbm>> -> memref<507904x128xf32, #tpu.memory_space<hbm>>
    tpu.wait_indirect_dma semaphore(%arg11 : memref<!tpu.dma_semaphore, #tpu.memory_space<semaphore_mem>>) src(%dma_wait3A_62 : memref<507904x128xf32, #tpu.memory_space<hbm>>) dst(%dma_wait3A_56 : memref<128x128xf32, #tpu.memory_space<vmem>>)
    %dma_wait3A_63 = arith.constant 2 : i32
    %dma_wait3A_64 = arith.constant 256 : i32
    %dma_wait3A_65 = arith.constant 0 : i32
    %dma_wait3A_66 = tpu.memref_slice %arg10[%dma_wait3A_64, %dma_wait3A_65] : memref<512x128xf32, #tpu.memory_space<vmem>> -> memref<128x128xf32, #tpu.memory_space<vmem>>
    %dma_wait3A_67 = arith.constant 0 : i32
    %dma_wait3A_68 = tpu.memref_slice %arg8[%dma_wait3A_63, %dma_wait3A_67] : memref<4x128xi32, #tpu.memory_space<vmem>> -> memref<1x128xi32, #tpu.memory_space<vmem>>
    %dma_wait3A_69 = tpu.memref_squeeze %dma_wait3A_68 : memref<1x128xi32, #tpu.memory_space<vmem>> -> memref<128xi32, #tpu.memory_space<vmem>>
    %dma_wait3A_70 = arith.constant 0 : i32
    %dma_wait3A_71 = arith.constant 0 : i32
    %dma_wait3A_72 = tpu.memref_slice %arg4[%dma_wait3A_70, %dma_wait3A_71] : memref<507904x128xf32, #tpu.memory_space<hbm>> -> memref<507904x128xf32, #tpu.memory_space<hbm>>
    tpu.wait_indirect_dma semaphore(%arg11 : memref<!tpu.dma_semaphore, #tpu.memory_space<semaphore_mem>>) src(%dma_wait3A_72 : memref<507904x128xf32, #tpu.memory_space<hbm>>) dst(%dma_wait3A_66 : memref<128x128xf32, #tpu.memory_space<vmem>>)
    %dma_wait3A_73 = arith.constant 3 : i32
    %dma_wait3A_74 = arith.constant 384 : i32
    %dma_wait3A_75 = arith.constant 0 : i32
    %dma_wait3A_76 = tpu.memref_slice %arg10[%dma_wait3A_74, %dma_wait3A_75] : memref<512x128xf32, #tpu.memory_space<vmem>> -> memref<128x128xf32, #tpu.memory_space<vmem>>
    %dma_wait3A_77 = arith.constant 0 : i32
    %dma_wait3A_78 = tpu.memref_slice %arg8[%dma_wait3A_73, %dma_wait3A_77] : memref<4x128xi32, #tpu.memory_space<vmem>> -> memref<1x128xi32, #tpu.memory_space<vmem>>
    %dma_wait3A_79 = tpu.memref_squeeze %dma_wait3A_78 : memref<1x128xi32, #tpu.memory_space<vmem>> -> memref<128xi32, #tpu.memory_space<vmem>>
    %dma_wait3A_80 = arith.constant 0 : i32
    %dma_wait3A_81 = arith.constant 0 : i32
    %dma_wait3A_82 = tpu.memref_slice %arg4[%dma_wait3A_80, %dma_wait3A_81] : memref<507904x128xf32, #tpu.memory_space<hbm>> -> memref<507904x128xf32, #tpu.memory_space<hbm>>
    tpu.wait_indirect_dma semaphore(%arg11 : memref<!tpu.dma_semaphore, #tpu.memory_space<semaphore_mem>>) src(%dma_wait3A_82 : memref<507904x128xf32, #tpu.memory_space<hbm>>) dst(%dma_wait3A_76 : memref<128x128xf32, #tpu.memory_space<vmem>>)
    "tpu.region"() ({
      %run_scoped3A = tpu.sem_alloc : memref<!tpu.dma_semaphore, #tpu.memory_space<semaphore_mem>>
      %dma_start3A_163 = arith.constant 0 : i32
      %dma_start3A_164 = tpu.memref_slice %arg6[%mul3A_4, %dma_start3A_163] : memref<16384x128xf32, #tpu.memory_space<hbm>> -> memref<512x128xf32, #tpu.memory_space<hbm>>
      %dma_start3A_165 = arith.constant 0 : i32
      %dma_start3A_166 = tpu.memref_slice %arg6[%mul3A_4, %dma_start3A_165] : memref<16384x128xf32, #tpu.memory_space<hbm>> -> memref<512x128xf32, #tpu.memory_space<hbm>>
      tpu.enqueue_dma source(%arg10 : memref<512x128xf32, #tpu.memory_space<vmem>>) target(%dma_start3A_166 : memref<512x128xf32, #tpu.memory_space<hbm>>) target_semaphore(%run_scoped3A : memref<!tpu.dma_semaphore, #tpu.memory_space<semaphore_mem>>)
      %dma_wait3A_167 = arith.constant 0 : i32
      %dma_wait3A_168 = tpu.memref_slice %arg6[%mul3A_4, %dma_wait3A_167] : memref<16384x128xf32, #tpu.memory_space<hbm>> -> memref<512x128xf32, #tpu.memory_space<hbm>>
      %dma_wait3A_169 = arith.constant 0 : i32
      %dma_wait3A_170 = tpu.memref_slice %arg6[%mul3A_4, %dma_wait3A_169] : memref<16384x128xf32, #tpu.memory_space<hbm>> -> memref<512x128xf32, #tpu.memory_space<hbm>>
      tpu.wait_dma2 semaphore(%run_scoped3A : memref<!tpu.dma_semaphore, #tpu.memory_space<semaphore_mem>>) src(%arg10 : memref<512x128xf32, #tpu.memory_space<vmem>>) dst(%dma_wait3A_170 : memref<512x128xf32, #tpu.memory_space<hbm>>)
      tpu.yield
    }) : () -> ()
    %dma_start3A_83 = arith.constant 0 : i32
    %dma_start3A_84 = arith.constant 0 : i32
    %dma_start3A_85 = arith.constant 0 : i32
    %dma_start3A_86 = tpu.memref_slice %arg10[%dma_start3A_84, %dma_start3A_85] : memref<512x128xf32, #tpu.memory_space<vmem>> -> memref<128x128xf32, #tpu.memory_space<vmem>>
    %dma_start3A_87 = arith.constant 0 : i32
    %dma_start3A_88 = tpu.memref_slice %arg9[%dma_start3A_83, %dma_start3A_87] : memref<4x128xi32, #tpu.memory_space<vmem>> -> memref<1x128xi32, #tpu.memory_space<vmem>>
    %dma_start3A_89 = tpu.memref_squeeze %dma_start3A_88 : memref<1x128xi32, #tpu.memory_space<vmem>> -> memref<128xi32, #tpu.memory_space<vmem>>
    %dma_start3A_90 = arith.constant 0 : i32
    %dma_start3A_91 = arith.constant 0 : i32
    %dma_start3A_92 = tpu.memref_slice %arg5[%dma_start3A_90, %dma_start3A_91] : memref<57344x128xf32, #tpu.memory_space<hbm>> -> memref<57344x128xf32, #tpu.memory_space<hbm>>
    tpu.enqueue_indirect_dma source(%dma_start3A_92 : memref<57344x128xf32, #tpu.memory_space<hbm>>) target(%dma_start3A_86 : memref<128x128xf32, #tpu.memory_space<vmem>>) offsets(%dma_start3A_89 : memref<128xi32, #tpu.memory_space<vmem>>) semaphore(%arg11 : memref<!tpu.dma_semaphore, #tpu.memory_space<semaphore_mem>>)
    %dma_start3A_93 = arith.constant 1 : i32
    %dma_start3A_94 = arith.constant 128 : i32
    %dma_start3A_95 = arith.constant 0 : i32
    %dma_start3A_96 = tpu.memref_slice %arg10[%dma_start3A_94, %dma_start3A_95] : memref<512x128xf32, #tpu.memory_space<vmem>> -> memref<128x128xf32, #tpu.memory_space<vmem>>
    %dma_start3A_97 = arith.constant 0 : i32
    %dma_start3A_98 = tpu.memref_slice %arg9[%dma_start3A_93, %dma_start3A_97] : memref<4x128xi32, #tpu.memory_space<vmem>> -> memref<1x128xi32, #tpu.memory_space<vmem>>
    %dma_start3A_99 = tpu.memref_squeeze %dma_start3A_98 : memref<1x128xi32, #tpu.memory_space<vmem>> -> memref<128xi32, #tpu.memory_space<vmem>>
    %dma_start3A_100 = arith.constant 0 : i32
    %dma_start3A_101 = arith.constant 0 : i32
    %dma_start3A_102 = tpu.memref_slice %arg5[%dma_start3A_100, %dma_start3A_101] : memref<57344x128xf32, #tpu.memory_space<hbm>> -> memref<57344x128xf32, #tpu.memory_space<hbm>>
    tpu.enqueue_indirect_dma source(%dma_start3A_102 : memref<57344x128xf32, #tpu.memory_space<hbm>>) target(%dma_start3A_96 : memref<128x128xf32, #tpu.memory_space<vmem>>) offsets(%dma_start3A_99 : memref<128xi32, #tpu.memory_space<vmem>>) semaphore(%arg11 : memref<!tpu.dma_semaphore, #tpu.memory_space<semaphore_mem>>)
    %dma_start3A_103 = arith.constant 2 : i32
    %dma_start3A_104 = arith.constant 256 : i32
    %dma_start3A_105 = arith.constant 0 : i32
    %dma_start3A_106 = tpu.memref_slice %arg10[%dma_start3A_104, %dma_start3A_105] : memref<512x128xf32, #tpu.memory_space<vmem>> -> memref<128x128xf32, #tpu.memory_space<vmem>>
    %dma_start3A_107 = arith.constant 0 : i32
    %dma_start3A_108 = tpu.memref_slice %arg9[%dma_start3A_103, %dma_start3A_107] : memref<4x128xi32, #tpu.memory_space<vmem>> -> memref<1x128xi32, #tpu.memory_space<vmem>>
    %dma_start3A_109 = tpu.memref_squeeze %dma_start3A_108 : memref<1x128xi32, #tpu.memory_space<vmem>> -> memref<128xi32, #tpu.memory_space<vmem>>
    %dma_start3A_110 = arith.constant 0 : i32
    %dma_start3A_111 = arith.constant 0 : i32
    %dma_start3A_112 = tpu.memref_slice %arg5[%dma_start3A_110, %dma_start3A_111] : memref<57344x128xf32, #tpu.memory_space<hbm>> -> memref<57344x128xf32, #tpu.memory_space<hbm>>
    tpu.enqueue_indirect_dma source(%dma_start3A_112 : memref<57344x128xf32, #tpu.memory_space<hbm>>) target(%dma_start3A_106 : memref<128x128xf32, #tpu.memory_space<vmem>>) offsets(%dma_start3A_109 : memref<128xi32, #tpu.memory_space<vmem>>) semaphore(%arg11 : memref<!tpu.dma_semaphore, #tpu.memory_space<semaphore_mem>>)
    %dma_start3A_113 = arith.constant 3 : i32
    %dma_start3A_114 = arith.constant 384 : i32
    %dma_start3A_115 = arith.constant 0 : i32
    %dma_start3A_116 = tpu.memref_slice %arg10[%dma_start3A_114, %dma_start3A_115] : memref<512x128xf32, #tpu.memory_space<vmem>> -> memref<128x128xf32, #tpu.memory_space<vmem>>
    %dma_start3A_117 = arith.constant 0 : i32
    %dma_start3A_118 = tpu.memref_slice %arg9[%dma_start3A_113, %dma_start3A_117] : memref<4x128xi32, #tpu.memory_space<vmem>> -> memref<1x128xi32, #tpu.memory_space<vmem>>
    %dma_start3A_119 = tpu.memref_squeeze %dma_start3A_118 : memref<1x128xi32, #tpu.memory_space<vmem>> -> memref<128xi32, #tpu.memory_space<vmem>>
    %dma_start3A_120 = arith.constant 0 : i32
    %dma_start3A_121 = arith.constant 0 : i32
    %dma_start3A_122 = tpu.memref_slice %arg5[%dma_start3A_120, %dma_start3A_121] : memref<57344x128xf32, #tpu.memory_space<hbm>> -> memref<57344x128xf32, #tpu.memory_space<hbm>>
    tpu.enqueue_indirect_dma source(%dma_start3A_122 : memref<57344x128xf32, #tpu.memory_space<hbm>>) target(%dma_start3A_116 : memref<128x128xf32, #tpu.memory_space<vmem>>) offsets(%dma_start3A_119 : memref<128xi32, #tpu.memory_space<vmem>>) semaphore(%arg11 : memref<!tpu.dma_semaphore, #tpu.memory_space<semaphore_mem>>)
    %dma_wait3A_123 = arith.constant 0 : i32
    %dma_wait3A_124 = arith.constant 0 : i32
    %dma_wait3A_125 = arith.constant 0 : i32
    %dma_wait3A_126 = tpu.memref_slice %arg10[%dma_wait3A_124, %dma_wait3A_125] : memref<512x128xf32, #tpu.memory_space<vmem>> -> memref<128x128xf32, #tpu.memory_space<vmem>>
    %dma_wait3A_127 = arith.constant 0 : i32
    %dma_wait3A_128 = tpu.memref_slice %arg9[%dma_wait3A_123, %dma_wait3A_127] : memref<4x128xi32, #tpu.memory_space<vmem>> -> memref<1x128xi32, #tpu.memory_space<vmem>>
    %dma_wait3A_129 = tpu.memref_squeeze %dma_wait3A_128 : memref<1x128xi32, #tpu.memory_space<vmem>> -> memref<128xi32, #tpu.memory_space<vmem>>
    %dma_wait3A_130 = arith.constant 0 : i32
    %dma_wait3A_131 = arith.constant 0 : i32
    %dma_wait3A_132 = tpu.memref_slice %arg5[%dma_wait3A_130, %dma_wait3A_131] : memref<57344x128xf32, #tpu.memory_space<hbm>> -> memref<57344x128xf32, #tpu.memory_space<hbm>>
    tpu.wait_indirect_dma semaphore(%arg11 : memref<!tpu.dma_semaphore, #tpu.memory_space<semaphore_mem>>) src(%dma_wait3A_132 : memref<57344x128xf32, #tpu.memory_space<hbm>>) dst(%dma_wait3A_126 : memref<128x128xf32, #tpu.memory_space<vmem>>)
    %dma_wait3A_133 = arith.constant 1 : i32
    %dma_wait3A_134 = arith.constant 128 : i32
    %dma_wait3A_135 = arith.constant 0 : i32
    %dma_wait3A_136 = tpu.memref_slice %arg10[%dma_wait3A_134, %dma_wait3A_135] : memref<512x128xf32, #tpu.memory_space<vmem>> -> memref<128x128xf32, #tpu.memory_space<vmem>>
    %dma_wait3A_137 = arith.constant 0 : i32
    %dma_wait3A_138 = tpu.memref_slice %arg9[%dma_wait3A_133, %dma_wait3A_137] : memref<4x128xi32, #tpu.memory_space<vmem>> -> memref<1x128xi32, #tpu.memory_space<vmem>>
    %dma_wait3A_139 = tpu.memref_squeeze %dma_wait3A_138 : memref<1x128xi32, #tpu.memory_space<vmem>> -> memref<128xi32, #tpu.memory_space<vmem>>
    %dma_wait3A_140 = arith.constant 0 : i32
    %dma_wait3A_141 = arith.constant 0 : i32
    %dma_wait3A_142 = tpu.memref_slice %arg5[%dma_wait3A_140, %dma_wait3A_141] : memref<57344x128xf32, #tpu.memory_space<hbm>> -> memref<57344x128xf32, #tpu.memory_space<hbm>>
    tpu.wait_indirect_dma semaphore(%arg11 : memref<!tpu.dma_semaphore, #tpu.memory_space<semaphore_mem>>) src(%dma_wait3A_142 : memref<57344x128xf32, #tpu.memory_space<hbm>>) dst(%dma_wait3A_136 : memref<128x128xf32, #tpu.memory_space<vmem>>)
    %dma_wait3A_143 = arith.constant 2 : i32
    %dma_wait3A_144 = arith.constant 256 : i32
    %dma_wait3A_145 = arith.constant 0 : i32
    %dma_wait3A_146 = tpu.memref_slice %arg10[%dma_wait3A_144, %dma_wait3A_145] : memref<512x128xf32, #tpu.memory_space<vmem>> -> memref<128x128xf32, #tpu.memory_space<vmem>>
    %dma_wait3A_147 = arith.constant 0 : i32
    %dma_wait3A_148 = tpu.memref_slice %arg9[%dma_wait3A_143, %dma_wait3A_147] : memref<4x128xi32, #tpu.memory_space<vmem>> -> memref<1x128xi32, #tpu.memory_space<vmem>>
    %dma_wait3A_149 = tpu.memref_squeeze %dma_wait3A_148 : memref<1x128xi32, #tpu.memory_space<vmem>> -> memref<128xi32, #tpu.memory_space<vmem>>
    %dma_wait3A_150 = arith.constant 0 : i32
    %dma_wait3A_151 = arith.constant 0 : i32
    %dma_wait3A_152 = tpu.memref_slice %arg5[%dma_wait3A_150, %dma_wait3A_151] : memref<57344x128xf32, #tpu.memory_space<hbm>> -> memref<57344x128xf32, #tpu.memory_space<hbm>>
    tpu.wait_indirect_dma semaphore(%arg11 : memref<!tpu.dma_semaphore, #tpu.memory_space<semaphore_mem>>) src(%dma_wait3A_152 : memref<57344x128xf32, #tpu.memory_space<hbm>>) dst(%dma_wait3A_146 : memref<128x128xf32, #tpu.memory_space<vmem>>)
    %dma_wait3A_153 = arith.constant 3 : i32
    %dma_wait3A_154 = arith.constant 384 : i32
    %dma_wait3A_155 = arith.constant 0 : i32
    %dma_wait3A_156 = tpu.memref_slice %arg10[%dma_wait3A_154, %dma_wait3A_155] : memref<512x128xf32, #tpu.memory_space<vmem>> -> memref<128x128xf32, #tpu.memory_space<vmem>>
    %dma_wait3A_157 = arith.constant 0 : i32
    %dma_wait3A_158 = tpu.memref_slice %arg9[%dma_wait3A_153, %dma_wait3A_157] : memref<4x128xi32, #tpu.memory_space<vmem>> -> memref<1x128xi32, #tpu.memory_space<vmem>>
    %dma_wait3A_159 = tpu.memref_squeeze %dma_wait3A_158 : memref<1x128xi32, #tpu.memory_space<vmem>> -> memref<128xi32, #tpu.memory_space<vmem>>
    %dma_wait3A_160 = arith.constant 0 : i32
    %dma_wait3A_161 = arith.constant 0 : i32
    %dma_wait3A_162 = tpu.memref_slice %arg5[%dma_wait3A_160, %dma_wait3A_161] : memref<57344x128xf32, #tpu.memory_space<hbm>> -> memref<57344x128xf32, #tpu.memory_space<hbm>>
    tpu.wait_indirect_dma semaphore(%arg11 : memref<!tpu.dma_semaphore, #tpu.memory_space<semaphore_mem>>) src(%dma_wait3A_162 : memref<57344x128xf32, #tpu.memory_space<hbm>>) dst(%dma_wait3A_156 : memref<128x128xf32, #tpu.memory_space<vmem>>)
    "tpu.region"() ({
      %run_scoped3A = tpu.sem_alloc : memref<!tpu.dma_semaphore, #tpu.memory_space<semaphore_mem>>
      %dma_start3A_163 = arith.constant 0 : i32
      %dma_start3A_164 = tpu.memref_slice %arg7[%mul3A_4, %dma_start3A_163] : memref<16384x128xf32, #tpu.memory_space<hbm>> -> memref<512x128xf32, #tpu.memory_space<hbm>>
      %dma_start3A_165 = arith.constant 0 : i32
      %dma_start3A_166 = tpu.memref_slice %arg7[%mul3A_4, %dma_start3A_165] : memref<16384x128xf32, #tpu.memory_space<hbm>> -> memref<512x128xf32, #tpu.memory_space<hbm>>
      tpu.enqueue_dma source(%arg10 : memref<512x128xf32, #tpu.memory_space<vmem>>) target(%dma_start3A_166 : memref<512x128xf32, #tpu.memory_space<hbm>>) target_semaphore(%run_scoped3A : memref<!tpu.dma_semaphore, #tpu.memory_space<semaphore_mem>>)
      %dma_wait3A_167 = arith.constant 0 : i32
      %dma_wait3A_168 = tpu.memref_slice %arg7[%mul3A_4, %dma_wait3A_167] : memref<16384x128xf32, #tpu.memory_space<hbm>> -> memref<512x128xf32, #tpu.memory_space<hbm>>
      %dma_wait3A_169 = arith.constant 0 : i32
      %dma_wait3A_170 = tpu.memref_slice %arg7[%mul3A_4, %dma_wait3A_169] : memref<16384x128xf32, #tpu.memory_space<hbm>> -> memref<512x128xf32, #tpu.memory_space<hbm>>
      tpu.wait_dma2 semaphore(%run_scoped3A : memref<!tpu.dma_semaphore, #tpu.memory_space<semaphore_mem>>) src(%arg10 : memref<512x128xf32, #tpu.memory_space<vmem>>) dst(%dma_wait3A_170 : memref<512x128xf32, #tpu.memory_space<hbm>>)
      tpu.yield
    }) : () -> ()
    return
  }
}

module attributes {stable_mosaic.version = 14 : i64} {
  func.func @_pairize_body(%arg0: i32, %arg1: memref<64x8192xf32, #tpu.memory_space<vmem>>, %arg2: memref<64x8192xf32, #tpu.memory_space<vmem>>, %arg3: memref<8192x128xf32, #tpu.memory_space<vmem>>) attributes {dimension_semantics = [#tpu.dimension_semantics<arbitrary>], iteration_bounds = array<i64: 62>, scalar_prefetch = 0 : i64, scratch_operands = 0 : i64, tpu.core_type = #tpu.core_type<tc>, window_params = [{transform_indices = @transform_0, window_bounds = array<i64: 64, 8192>}, {transform_indices = @transform_1, window_bounds = array<i64: 64, 8192>}, {transform_indices = @transform_2, window_bounds = array<i64: 8192, 128>}]} {
    %get3A = arith.constant 0 : index
    %get3A_0 = arith.constant 0 : index
    %get3A_1 = vector.load %arg1[%get3A, %get3A_0] : memref<64x8192xf32, #tpu.memory_space<vmem>>, vector<64x8192xf32>
    %transpose3A = tpu.transpose %get3A_1, [1, 0] : vector<64x8192xf32> -> vector<8192x64xf32>
    %get3A_2 = arith.constant 0 : index
    %get3A_3 = arith.constant 0 : index
    %get3A_4 = vector.load %arg2[%get3A_2, %get3A_3] : memref<64x8192xf32, #tpu.memory_space<vmem>>, vector<64x8192xf32>
    %transpose3A_5 = tpu.transpose %get3A_4, [1, 0] : vector<64x8192xf32> -> vector<8192x64xf32>
    %concatenate3A = tpu.concatenate %transpose3A, %transpose3A_5 in 1 : vector<8192x64xf32>, vector<8192x64xf32> -> vector<8192x128xf32>
    %swap3A = arith.constant 0 : index
    %swap3A_6 = arith.constant 0 : index
    %swap3A_7 = vector.load %arg3[%swap3A, %swap3A_6] : memref<8192x128xf32, #tpu.memory_space<vmem>>, vector<8192x128xf32>
    tpu.vector_store %arg3[%swap3A, %swap3A_6], %concatenate3A {strides = array<i32>} : memref<8192x128xf32, #tpu.memory_space<vmem>>, vector<8192x128xf32>,
    return
  }
  func.func @transform_0(%arg0: i32) -> (i32, i32) {
    %c0_i32 = arith.constant 0 : i32
    %c0_i32_0 = arith.constant 0 : i32
    return %c0_i32, %arg0 : i32, i32
  }
  func.func @transform_1(%arg0: i32) -> (i32, i32) {
    %add3A = arith.constant 62 : i32
    %add3A_0 = arith.addi %add3A, %arg0 : i32
    %min3A = arith.constant 122 : i32
    %min3A_1 = arith.minsi %add3A_0, %min3A : i32
    %c0_i32 = arith.constant 0 : i32
    %c0_i32_2 = arith.constant 0 : i32
    return %c0_i32, %min3A_1 : i32, i32
  }
  func.func @transform_2(%arg0: i32) -> (i32, i32) {
    %c0_i32 = arith.constant 0 : i32
    %c0_i32_0 = arith.constant 0 : i32
    return %arg0, %c0_i32 : i32, i32
  }
}

module attributes {stable_mosaic.version = 14 : i64} {
  func.func @_pairize_body(%arg0: i32, %arg1: memref<64x8192xf32, #tpu.memory_space<vmem>>, %arg2: memref<64x8192xf32, #tpu.memory_space<vmem>>, %arg3: memref<8192x128xf32, #tpu.memory_space<vmem>>) attributes {dimension_semantics = [#tpu.dimension_semantics<arbitrary>], iteration_bounds = array<i64: 7>, scalar_prefetch = 0 : i64, scratch_operands = 0 : i64, tpu.core_type = #tpu.core_type<tc>, window_params = [{transform_indices = @transform_0, window_bounds = array<i64: 64, 8192>}, {transform_indices = @transform_1, window_bounds = array<i64: 64, 8192>}, {transform_indices = @transform_2, window_bounds = array<i64: 8192, 128>}]} {
    %get3A = arith.constant 0 : index
    %get3A_0 = arith.constant 0 : index
    %get3A_1 = vector.load %arg1[%get3A, %get3A_0] : memref<64x8192xf32, #tpu.memory_space<vmem>>, vector<64x8192xf32>
    %transpose3A = tpu.transpose %get3A_1, [1, 0] : vector<64x8192xf32> -> vector<8192x64xf32>
    %get3A_2 = arith.constant 0 : index
    %get3A_3 = arith.constant 0 : index
    %get3A_4 = vector.load %arg2[%get3A_2, %get3A_3] : memref<64x8192xf32, #tpu.memory_space<vmem>>, vector<64x8192xf32>
    %transpose3A_5 = tpu.transpose %get3A_4, [1, 0] : vector<64x8192xf32> -> vector<8192x64xf32>
    %concatenate3A = tpu.concatenate %transpose3A, %transpose3A_5 in 1 : vector<8192x64xf32>, vector<8192x64xf32> -> vector<8192x128xf32>
    %swap3A = arith.constant 0 : index
    %swap3A_6 = arith.constant 0 : index
    %swap3A_7 = vector.load %arg3[%swap3A, %swap3A_6] : memref<8192x128xf32, #tpu.memory_space<vmem>>, vector<8192x128xf32>
    tpu.vector_store %arg3[%swap3A, %swap3A_6], %concatenate3A {strides = array<i32>} : memref<8192x128xf32, #tpu.memory_space<vmem>>, vector<8192x128xf32>,
    return
  }
  func.func @transform_0(%arg0: i32) -> (i32, i32) {
    %c0_i32 = arith.constant 0 : i32
    %c0_i32_0 = arith.constant 0 : i32
    return %c0_i32, %arg0 : i32, i32
  }
  func.func @transform_1(%arg0: i32) -> (i32, i32) {
    %add3A = arith.constant 7 : i32
    %add3A_0 = arith.addi %add3A, %arg0 : i32
    %min3A = arith.constant 12 : i32
    %min3A_1 = arith.minsi %add3A_0, %min3A : i32
    %c0_i32 = arith.constant 0 : i32
    %c0_i32_2 = arith.constant 0 : i32
    return %c0_i32, %min3A_1 : i32, i32
  }
  func.func @transform_2(%arg0: i32) -> (i32, i32) {
    %c0_i32 = arith.constant 0 : i32
    %c0_i32_0 = arith.constant 0 : i32
    return %arg0, %c0_i32 : i32, i32
  }
}

module attributes {stable_mosaic.version = 14 : i64} {
  func.func @_mlp_body(%arg0: i32, %arg1: memref<2048x128xf32, #tpu.memory_space<vmem>>, %arg2: memref<2048x128xf32, #tpu.memory_space<vmem>>, %arg3: memref<2048x1xi32, #tpu.memory_space<vmem>>, %arg4: memref<2048x1xi32, #tpu.memory_space<vmem>>, %arg5: memref<64x128xf32, #tpu.memory_space<vmem>>, %arg6: memref<64x128xf32, #tpu.memory_space<vmem>>, %arg7: memref<1x128xf32, #tpu.memory_space<vmem>>, %arg8: memref<128x64xf32, #tpu.memory_space<vmem>>, %arg9: memref<1x64xf32, #tpu.memory_space<vmem>>, %arg10: memref<1x64xf32, #tpu.memory_space<vmem>>, %arg11: memref<2048xf32, #tpu.memory_space<vmem>>) attributes {dimension_semantics = [#tpu.dimension_semantics<arbitrary>], iteration_bounds = array<i64: 8>, scalar_prefetch = 0 : i64, scratch_operands = 0 : i64, tpu.core_type = #tpu.core_type<tc>, window_params = [{transform_indices = @transform_0, window_bounds = array<i64: 2048, 128>}, {transform_indices = @transform_1, window_bounds = array<i64: 2048, 128>}, {transform_indices = @transform_2, window_bounds = array<i64: 2048, 1>}, {transform_indices = @transform_3, window_bounds = array<i64: 2048, 1>}, {pipeline_mode = #tpu.pipeline_mode<synchronous>, transform_indices = @transform_4, window_bounds = array<i64: 64, 128>}, {pipeline_mode = #tpu.pipeline_mode<synchronous>, transform_indices = @transform_5, window_bounds = array<i64: 64, 128>}, {pipeline_mode = #tpu.pipeline_mode<synchronous>, transform_indices = @transform_6, window_bounds = array<i64: 1, 128>}, {pipeline_mode = #tpu.pipeline_mode<synchronous>, transform_indices = @transform_7, window_bounds = array<i64: 128, 64>}, {pipeline_mode = #tpu.pipeline_mode<synchronous>, transform_indices = @transform_8, window_bounds = array<i64: 1, 64>}, {pipeline_mode = #tpu.pipeline_mode<synchronous>, transform_indices = @transform_9, window_bounds = array<i64: 1, 64>}, {transform_indices = @transform_10, window_bounds = array<i64: 2048>}]} {
    %get3A = arith.constant 0 : index
    %get3A_0 = arith.constant 0 : index
    %get3A_1 = vector.load %arg1[%get3A, %get3A_0] : memref<2048x128xf32, #tpu.memory_space<vmem>>, vector<2048x128xf32>
    %get3A_2 = arith.constant 0 : index
    %get3A_3 = arith.constant 0 : index
    %get3A_4 = vector.load %arg2[%get3A_2, %get3A_3] : memref<2048x128xf32, #tpu.memory_space<vmem>>, vector<2048x128xf32>
    %get3A_5 = arith.constant 0 : index
    %get3A_6 = arith.constant 0 : index
    %get3A_7 = vector.load %arg3[%get3A_5, %get3A_6] : memref<2048x1xi32, #tpu.memory_space<vmem>>, vector<2048x1xi32>
    %ge3A = arith.constant 507904 : i32
    %ge3A_8 = vector.broadcast %ge3A : i32 to vector<2048x1xi32>
    %ge3A_9 = arith.cmpi sge, %get3A_7, %ge3A_8 : vector<2048x1xi32>
    %get3A_10 = arith.constant 0 : index
    %get3A_11 = arith.constant 0 : index
    %get3A_12 = vector.load %arg4[%get3A_10, %get3A_11] : memref<2048x1xi32, #tpu.memory_space<vmem>>, vector<2048x1xi32>
    %ge3A_13 = arith.constant 57344 : i32
    %ge3A_14 = vector.broadcast %ge3A_13 : i32 to vector<2048x1xi32>
    %ge3A_15 = arith.cmpi sge, %get3A_12, %ge3A_14 : vector<2048x1xi32>
    %slice3A = vector.extract_strided_slice %get3A_1 {offsets = [0, 64], sizes = [2048, 64], strides = [1, 1]} : vector<2048x128xf32> to vector<2048x64xf32>
    %slice3A_16 = vector.extract_strided_slice %get3A_1 {offsets = [0, 0], sizes = [2048, 64], strides = [1, 1]} : vector<2048x128xf32> to vector<2048x64xf32>
    %broadcast_in_dim3A = vector.shape_cast %ge3A_9 : vector<2048x1xi1> to vector<2048x1xi1>
    %broadcast_in_dim3A_17 = vector.broadcast %broadcast_in_dim3A : vector<2048x1xi1> to vector<2048x64xi1>
    %select_n3A = arith.select %broadcast_in_dim3A_17, %slice3A, %slice3A_16 : vector<2048x64xi1>, vector<2048x64xf32>
    %slice3A_18 = vector.extract_strided_slice %get3A_4 {offsets = [0, 64], sizes = [2048, 64], strides = [1, 1]} : vector<2048x128xf32> to vector<2048x64xf32>
    %slice3A_19 = vector.extract_strided_slice %get3A_4 {offsets = [0, 0], sizes = [2048, 64], strides = [1, 1]} : vector<2048x128xf32> to vector<2048x64xf32>
    %broadcast_in_dim3A_20 = vector.shape_cast %ge3A_15 : vector<2048x1xi1> to vector<2048x1xi1>
    %broadcast_in_dim3A_21 = vector.broadcast %broadcast_in_dim3A_20 : vector<2048x1xi1> to vector<2048x64xi1>
    %select_n3A_22 = arith.select %broadcast_in_dim3A_21, %slice3A_18, %slice3A_19 : vector<2048x64xi1>, vector<2048x64xf32>
    %get3A_23 = arith.constant 0 : index
    %get3A_24 = arith.constant 0 : index
    %get3A_25 = vector.load %arg5[%get3A_23, %get3A_24] : memref<64x128xf32, #tpu.memory_space<vmem>>, vector<64x128xf32>
    %dot_general3A = arith.constant dense<0.000000e+00> : vector<2048x128xf32>
    %dot_general3A_26 = tpu.matmul %select_n3A, %get3A_25, %dot_general3A {dimension_numbers = #tpu.dot_dimension_numbers<[1], [0], [0], [1], [0, 0, 1, 1], [], []>, transpose_lhs_hint = false} : vector<2048x64xf32>, vector<64x128xf32>, vector<2048x128xf32> -> vector<2048x128xf32>
    %get3A_27 = arith.constant 0 : index
    %get3A_28 = arith.constant 0 : index
    %get3A_29 = vector.load %arg6[%get3A_27, %get3A_28] : memref<64x128xf32, #tpu.memory_space<vmem>>, vector<64x128xf32>
    %dot_general3A_30 = arith.constant dense<0.000000e+00> : vector<2048x128xf32>
    %dot_general3A_31 = tpu.matmul %select_n3A_22, %get3A_29, %dot_general3A_30 {dimension_numbers = #tpu.dot_dimension_numbers<[1], [0], [0], [1], [0, 0, 1, 1], [], []>, transpose_lhs_hint = false} : vector<2048x64xf32>, vector<64x128xf32>, vector<2048x128xf32> -> vector<2048x128xf32>
    %add3A = arith.addf %dot_general3A_26, %dot_general3A_31 : vector<2048x128xf32>
    %get3A_32 = arith.constant 0 : index
    %get3A_33 = arith.constant 0 : index
    %get3A_34 = vector.load %arg7[%get3A_32, %get3A_33] : memref<1x128xf32, #tpu.memory_space<vmem>>, vector<1x128xf32>
    %add3A_35 = vector.broadcast %get3A_34 : vector<1x128xf32> to vector<2048x128xf32>
    %add3A_36 = arith.addf %add3A, %add3A_35 : vector<2048x128xf32>
    %max3A = arith.constant 0.000000e+00 : f32
    %max3A_37 = vector.broadcast %max3A : f32 to vector<2048x128xf32>
    %max3A_38 = arith.maximumf %add3A_36, %max3A_37 : vector<2048x128xf32>
    %get3A_39 = arith.constant 0 : index
    %get3A_40 = arith.constant 0 : index
    %get3A_41 = vector.load %arg8[%get3A_39, %get3A_40] : memref<128x64xf32, #tpu.memory_space<vmem>>, vector<128x64xf32>
    %dot_general3A_42 = arith.constant dense<0.000000e+00> : vector<2048x64xf32>
    %dot_general3A_43 = tpu.matmul %max3A_38, %get3A_41, %dot_general3A_42 {dimension_numbers = #tpu.dot_dimension_numbers<[1], [0], [0], [1], [0, 0, 1, 1], [], []>, transpose_lhs_hint = false} : vector<2048x128xf32>, vector<128x64xf32>, vector<2048x64xf32> -> vector<2048x64xf32>
    %get3A_44 = arith.constant 0 : index
    %get3A_45 = arith.constant 0 : index
    %get3A_46 = vector.load %arg9[%get3A_44, %get3A_45] : memref<1x64xf32, #tpu.memory_space<vmem>>, vector<1x64xf32>
    %add3A_47 = vector.broadcast %get3A_46 : vector<1x64xf32> to vector<2048x64xf32>
    %add3A_48 = arith.addf %dot_general3A_43, %add3A_47 : vector<2048x64xf32>
    %max3A_49 = arith.constant 0.000000e+00 : f32
    %max3A_50 = vector.broadcast %max3A_49 : f32 to vector<2048x64xf32>
    %max3A_51 = arith.maximumf %add3A_48, %max3A_50 : vector<2048x64xf32>
    %get3A_52 = arith.constant 0 : index
    %get3A_53 = arith.constant 0 : index
    %get3A_54 = vector.load %arg10[%get3A_52, %get3A_53] : memref<1x64xf32, #tpu.memory_space<vmem>>, vector<1x64xf32>
    %mul3A = vector.broadcast %get3A_54 : vector<1x64xf32> to vector<2048x64xf32>
    %mul3A_55 = arith.mulf %max3A_51, %mul3A : vector<2048x64xf32>
    %reduce_sum3A = arith.constant dense<0.000000e+00> : vector<2048xf32>
    %reduce_sum3A_56 = vector.multi_reduction <add>, %mul3A_55, %reduce_sum3A [1] : vector<2048x64xf32> to vector<2048xf32>
    %swap3A = arith.constant 0 : index
    %swap3A_57 = vector.load %arg11[%swap3A] : memref<2048xf32, #tpu.memory_space<vmem>>, vector<2048xf32>
    tpu.vector_store %arg11[%swap3A], %reduce_sum3A_56 {strides = array<i32>} : memref<2048xf32, #tpu.memory_space<vmem>>, vector<2048xf32>,
    return
  }
  func.func @transform_0(%arg0: i32) -> (i32, i32) {
    %c0_i32 = arith.constant 0 : i32
    %c0_i32_0 = arith.constant 0 : i32
    return %arg0, %c0_i32 : i32, i32
  }
  func.func @transform_1(%arg0: i32) -> (i32, i32) {
    %c0_i32 = arith.constant 0 : i32
    %c0_i32_0 = arith.constant 0 : i32
    return %arg0, %c0_i32 : i32, i32
  }
  func.func @transform_2(%arg0: i32) -> (i32, i32) {
    %c0_i32 = arith.constant 0 : i32
    %c0_i32_0 = arith.constant 0 : i32
    return %arg0, %c0_i32 : i32, i32
  }
  func.func @transform_3(%arg0: i32) -> (i32, i32) {
    %c0_i32 = arith.constant 0 : i32
    %c0_i32_0 = arith.constant 0 : i32
    return %arg0, %c0_i32 : i32, i32
  }
  func.func @transform_4(%arg0: i32) -> (i32, i32) {
    %c0_i32 = arith.constant 0 : i32
    %c0_i32_0 = arith.constant 0 : i32
    %c0_i32_1 = arith.constant 0 : i32
    return %c0_i32, %c0_i32_0 : i32, i32
  }
  func.func @transform_5(%arg0: i32) -> (i32, i32) {
    %c0_i32 = arith.constant 0 : i32
    %c0_i32_0 = arith.constant 0 : i32
    %c0_i32_1 = arith.constant 0 : i32
    return %c0_i32, %c0_i32_0 : i32, i32
  }
  func.func @transform_6(%arg0: i32) -> (i32, i32) {
    %c0_i32 = arith.constant 0 : i32
    %c0_i32_0 = arith.constant 0 : i32
    %c0_i32_1 = arith.constant 0 : i32
    return %c0_i32, %c0_i32_0 : i32, i32
  }
  func.func @transform_7(%arg0: i32) -> (i32, i32) {
    %c0_i32 = arith.constant 0 : i32
    %c0_i32_0 = arith.constant 0 : i32
    %c0_i32_1 = arith.constant 0 : i32
    return %c0_i32, %c0_i32_0 : i32, i32
  }
  func.func @transform_8(%arg0: i32) -> (i32, i32) {
    %c0_i32 = arith.constant 0 : i32
    %c0_i32_0 = arith.constant 0 : i32
    %c0_i32_1 = arith.constant 0 : i32
    return %c0_i32, %c0_i32_0 : i32, i32
  }
  func.func @transform_9(%arg0: i32) -> (i32, i32) {
    %c0_i32 = arith.constant 0 : i32
    %c0_i32_0 = arith.constant 0 : i32
    %c0_i32_1 = arith.constant 0 : i32
    return %c0_i32, %c0_i32_0 : i32, i32
  }
  func.func @transform_10(%arg0: i32) -> i32 {
    %c0_i32 = arith.constant 0 : i32
    return %arg0 : i32
  }
}

</mosaic_0001>

<sc_bundles>
// kernel: kernel.6.cloned.1.call-start
scs
__scs_entry_jumppad:
0x0: {  	(pc) =	sbr.rel $0x88, $3  }
0x1: {  	(tag) =	ssettag $0x0;
	lr =	simm.s32 $0x1  }
0x2: {  	[smem:$0x3F97] =	sst lr;
	_ =	strace $0xD0000000  }
0x3: {  	_ = 	snop  }
0x4: {  	_ = 	snop  }
0x5: {  	_ = 	snop  }
0x6: {  	_ = 	snop  }
0x7: {  	_ = 	snop  }
__scs_overlays_trampoline_lowered:
0x8: {  	[smem:$0x3FA6] =	sst s0  }
0x9: {  	[smem:$0x3FA7] =	sst s1  }
0xa: {  	[smem:$0x3FA8] =	sst s2  }
0xb: {  	[smem:$0x3FA9] =	sst s3  }
0xc: {  	[smem:$0x3FAA] =	sst s4  }
0xd: {  	[smem:$0x3FAB] =	sst s5  }
0xe: {  	[smem:$0x3FAC] =	sst s6  }
0xf: {  	[smem:$0x3FAD] =	sst s7  }
0x10: {  	[smem:$0x3FAE] =	sst s8  }
0x11: {  	[smem:$0x3FAF] =	sst s9;
	s0 =	simm.s32 @!p0 $0x0  }
0x12: {  	s1 =	sld [smem:$0x3F95];
	s0 =	simm.s32 @p0 $0x1  }
0x13: {  	[smem:$0x3FB0] =	sst s0;
	s0 =	simm.s32 @!p1 $0x0  }
0x14: {  	s2 =	sld [smem:$0x3F94];
	s0 =	simm.s32 @p1 $0x1  }
0x15: {  	[smem:$0x3FB1] =	sst s0;
	s0 =	simm.s32 @!p2 $0x0  }
0x16: {  	s3 =	sld [smem:$0x3FDB];
	s0 =	simm.s32 @p2 $0x1  }
0x17: {  	s4 =	simm.s32 $0x1BF5;
	[smem:$0x3FB3] =	sst s0  }
0x18: {  	s0 =	sld [smem:$0x3F96];
	_ =	swait.ge [sflag:s4], $0x0  }
0x19: {  	s7 =	sld [smem:$0x3F97]  }
0x1a: {  	s8 =	sadd.s32 $0xFFFFE003, lr  }
0x1b: {  	s9 =	sadd.s32 $0xFFFFFEF7, lr;
	s5 =	simm.s32 $0xFFFFFFFF;
	p2 =	slt.u32 s8, $0xFFFFF086  }
0x1c: {  	p1 =	slt.u32 s9, $0xF7A;
	s5 =	simm.s32 @!p2 $0x0  }
0x1d: {  	s5 =	simm.s32 @p1 $0x1;
	p0 =	seq.s32 s7, s2  }
0x1e: {  	s7 =	smul.u32 @!p0 $0xF7A, s2;
	p2 =	seq.s32 @!p0 s5, $0x0  }
0x1f: {  	s9 =	smul.u32 $0xF7A, s1;
	s8 =	simm.s32 @!p0 $0x1BF5;
	p2 =	por !p2, p0  }
0x20: {  	[sflag:s8] =	ssyncset.s32 @!p0 $0xFFFFF086;
	s6 =	sadd.s32 @!p0 s3, s7;
	s7 =	simm.s32 @!p0 $0x108  }
0x21: {  	s3 =	sadd.s32 s3, s9;
	s6 =	sadd.s32 @!p0 $0x88, s6;
	s7 =	simm.s32 @p2 $0x1082  }
0x22: {  	[simem:s7], [sflag:s8] =	dma.local @!p0 [hbm:s6], $0xF7A  }
0x23: {  	s9 =	sor.u32 $0xD0000000, s2;
	s6 =	simm.s32 $0x108;
	_ =	swait.ge @!p0 [sflag:s8], $0x0  }
0x24: {  	s3 =	sadd.s32 $0x88, s3;
	s6 =	simm.s32 @!p1 $0x1082;
	[sflag:s4] =	ssyncset.s32 $0xFFFFF086  }
0x25: {  	[simem:s6], [sflag:s4] =	dma.local [hbm:s3], $0xF7A  }
0x26: {  	[smem:$0x3F97] =	sst s1;
	(tag) =	ssettag s2;
	_ =	strace s9  }
0x27: {  	s1 =	sld [smem:$0x3FA7]  }
0x28: {  	s2 =	sld [smem:$0x3FA8]  }
0x29: {  	s4 =	sld [smem:$0x3FAA]  }
0x2a: {  	p0 =	seq.s32 s5, $0x0;
	s5 =	sld [smem:$0x3FAB]  }
0x2b: {  	s6 =	sld [smem:$0x3FAC]  }
0x2c: {  	s7 =	sld [smem:$0x3FAD]  }
0x2d: {  	s3 =	simm.s32 $0x108;
	s8 =	sld [smem:$0x3FAE]  }
0x2e: {  	s3 =	simm.s32 @!p0 $0x1082;
	s9 =	sld [smem:$0x3FAF]  }
0x2f: {  	lr =	sadd.s32 s0, s3;
	s0 =	sld [smem:$0x3FA6]  }
0x30: {  	s3 =	sld [smem:$0x3FA9]  }
0x31: {  	[smem:$0x3FB2] =	sst s10  }
0x32: {  	s10 =	sld [smem:$0x3FB0];
	_ =	sdelay $0x3  }
0x33: {  	p0 =	seq.s32 s10, $0x1;
	s10 =	sld [smem:$0x3FB2];
	_ =	sdelay $0x3  }
0x34: {  	[smem:$0x3FB2] =	sst s10  }
0x35: {  	s10 =	sld [smem:$0x3FB1];
	_ =	sdelay $0x3  }
0x36: {  	p1 =	seq.s32 s10, $0x1;
	s10 =	sld [smem:$0x3FB2];
	_ =	sdelay $0x3  }
0x37: {  	[smem:$0x3FB2] =	sst s10  }
0x38: {  	s10 =	sld [smem:$0x3FB3]  }
0x39: {  	_ = 	snop;
	(pc) =	sbr.ind lr, $3  }
0x3a: {  	_ = 	snop  }
0x3b: {  	_ = 	snop  }
0x3c: {  	p2 =	seq.s32 s10, $0x1;
	s10 =	sld [smem:$0x3FB2]  }
0x3d: {  	_ =	shalt  }
0x3e: {  	_ =	shalt  }
0x3f: {  	_ =	shalt  }
0x40: {  	_ =	shalt  }
0x41: {  	_ =	shalt  }
0x42: {  	_ =	shalt  }
0x43: {  	_ =	shalt  }
0x44: {  	_ =	shalt  }
0x45: {  	_ =	shalt  }
0x46: {  	_ =	shalt  }
0x47: {  	_ =	shalt  }
0x48: {  	_ =	shalt  }
0x49: {  	_ =	shalt  }
0x4a: {  	_ =	shalt  }
0x4b: {  	_ =	shalt  }
0x4c: {  	_ =	shalt  }
0x4d: {  	_ =	shalt  }
0x4e: {  	_ =	shalt  }
0x4f: {  	_ =	shalt  }
0x50: {  	_ =	shalt  }
0x51: {  	_ =	shalt  }
0x52: {  	_ =	shalt  }
0x53: {  	_ =	shalt  }
0x54: {  	_ =	shalt  }
0x55: {  	_ =	shalt  }
0x56: {  	_ =	shalt  }
0x57: {  	_ =	shalt  }
0x58: {  	_ =	shalt  }
0x59: {  	_ =	shalt  }
0x5a: {  	_ =	shalt  }
0x5b: {  	_ =	shalt  }
0x5c: {  	_ =	shalt  }
0x5d: {  	_ =	shalt  }
0x5e: {  	_ =	shalt  }
0x5f: {  	_ =	shalt  }
0x60: {  	_ =	shalt  }
0x61: {  	_ =	shalt  }
0x62: {  	_ =	shalt  }
0x63: {  	_ =	shalt  }
0x64: {  	_ =	shalt  }
0x65: {  	_ =	shalt  }
0x66: {  	_ =	shalt  }
0x67: {  	_ =	shalt  }
0x68: {  	_ =	shalt  }
0x69: {  	_ =	shalt  }
0x6a: {  	_ =	shalt  }
0x6b: {  	_ =	shalt  }
0x6c: {  	_ =	shalt  }
0x6d: {  	_ =	shalt  }
0x6e: {  	_ =	shalt  }
0x6f: {  	_ =	shalt  }
0x70: {  	_ =	shalt  }
0x71: {  	_ =	shalt  }
0x72: {  	_ =	shalt  }
0x73: {  	_ =	shalt  }
0x74: {  	_ =	shalt  }
0x75: {  	_ =	shalt  }
0x76: {  	_ =	shalt  }
0x77: {  	_ =	shalt  }
0x78: {  	_ =	shalt  }
0x79: {  	_ =	shalt  }
0x7a: {  	_ =	shalt  }
0x7b: {  	_ =	shalt  }
0x7c: {  	_ =	shalt  }
0x7d: {  	_ =	shalt  }
0x7e: {  	_ =	shalt  }
0x7f: {  	_ =	shalt  }
0x80: {  	_ =	shalt  }
0x81: {  	_ =	shalt  }
0x82: {  	_ =	shalt  }
0x83: {  	_ =	shalt  }
0x84: {  	_ =	shalt  }
0x85: {  	_ =	shalt  }
0x86: {  	_ =	shalt  }
0x87: {  	_ =	shalt  }
.Lfunc_end0:
.L_simem_size_0:
called_computation_lowered:
.L_overlay_start_0:
0x88: {  	s2 =	sld [smem:$0x3FD9]  }
0x89: {  	s3 =	sld [smem:$0x3FFE];
	_ =	sdelay $0x1  }
0x8a: {  	s1 =	srdreg.scid  }
0x8b: {  	s0 =	sand.u32 $0x1, s1  }
0x8c: {  	s17 =	sshll.u32 s0, $0xA;
	s2 =	sadd.s32 s3, s2  }
0x8d: {  	s2 =	sadd.s32 s2, s17  }
0x8e: {  	[smem:$0x3FBE] =	sst s2  }
0x8f: {  	_ = 	snop  }
0x90: {  	s2 =	sld [smem:$0x3FD0];
	(tm) =	ssettm $0x1  }
0x91: {  	s18 =	sld [smem:$0x3FFB];
	_ =	sdelay $0x3  }
0x92: {  	_ =	strace s18  }
0x93: {  	s3 =	sld [smem:$0x3FFC];
	_ =	sdelay $0x3  }
0x94: {  	_ =	strace s3  }
0x95: {  	s3 =	sld [smem:$0x3FFD];
	_ =	sdelay $0x3  }
0x96: {  	_ =	strace s3  }
0x97: {  	_ =	strace $0x8FFFFFFF  }
0x98: {  	s19 =	sld [smem:$0x3FDB];
	_ =	sdelay $0x1  }
0x99: {  	s4 =	simm.s32 $_scs_section_size  }
0x9a: {  	s5 =	simm.s32 $_size__tile_overlayer_lowered;
	s6 =	simm.s32 $_tile_overlayer_lowered  }
0x9b: {  	s22 =	simm.s32 $0x1BFF;
	s21 =	sshll.u32 s6, $0x1;
	s3 =	sadd.s32 s4, s19  }
0x9c: {  	s7 =	simm.s32 $0x0;
	s20 =	sshll.u32 s5, $0x1;
	s5 =	sadd.s32 s21, s3  }
0x9d: {  	[timem:s7], [sflag:s22] =	dma.local [hbm:s5], s20  }
0x9e: {  	_ =	swait.ge [sflag:s22], s20  }
0x9f: {  	s4 =	ssub.s32 $0x0, s20;
	[sflag:s22] =	ssyncset.done $0x0  }
0xa0: {  	[sflag:s22] =	ssyncadd.s32 s4;
	_ =	sdelay $0x1  }
0xa1: {  	s23 =	simm.s32 $0x1B8B  }
0xa2: {  	_ =	swait.ge [sflag:s23], $0x1  }
0xa3: {  	[sflag:s23] =	ssyncset.done $0x0  }
0xa4: {  	s25 =	simm.s32 $0x1B8E;
	s24 =	sld [smem:$0x3FFE];
	[sflag:s23] =	ssyncadd.s32 $0xFFFFFFFF  }
0xa5: {  	s26 =	simm.s32 $execute0_lowered;
	[smem:$0x3FD2] =	sst s25  }
0xa6: {  	s5 =	sshll.u32 s26, $0x1;
	_ =	strace $0x80000046;
	[dreg:$0x1] =	wrdreg $0xFFFFFFFF  }
0xa7: {  	s28 =	simm.s32 $_size_execute0_lowered;
	s3 =	sadd.s32 s3, s5;
	[dreg:$0x0] =	wrdreg $0x0  }
0xa8: {  	s5 =	sshll.u32 s28, $0x1;
	[dreg:$0x2] =	wrdreg s3  }
0xa9: {  	[dreg:$0x3] =	wrdreg s5  }
0xaa: {  	[dreg:$0x4] =	wrdreg $0xC0  }
0xab: {  	_ =	task [dreg:s7], $0x5FFFF  }
0xac: {  	[dreg:$0x1] =	wrdreg $0xFFFFFFFF  }
0xad: {  	[dreg:$0x0] =	wrdreg $0x60  }
0xae: {  	[dreg:$0x2] =	wrdreg s2  }
0xaf: {  	[dreg:$0x3] =	wrdreg s24  }
0xb0: {  	[dreg:$0x4] =	wrdreg $0x9  }
0xb1: {  	_ =	task.clear_ibuf [dreg:s7], $0x5FFFF;
	_ =	strace $0x90000046  }
0xb2: {  	s29 =	simm.s32 $0x9;
	_ =	strace $0x80000048  }
0xb3: {  	_ =	swait.ge [sflag:s29], $0x1  }
0xb4: {  	[sflag:s29] =	ssyncadd.s32 $0xFFFFFFFF  }
0xb5: {  	_ =	strace $0x90000048  }
0xb6: {  	_ =	sfence  }
0xb7: {  	s30 =	sld [smem:$0x0];
	_ =	sdelay $0x2  }
0xb8: {  	s31 =	sshll.u32 s1, $0xD;
	s1 =	sshrl.u32 s1, $0x2  }
0xb9: {  	s3 =	sand.u32 $0x4000, s31;
	s1 =	sadd.s32 s1, s30  }
0xba: {  	s0 =	sor.u32 s3, s0;
	s1 =	sshll.u32 s1, $0x11  }
0xbb: {  	s0 =	sor.u32 s1, s0  }
0xbc: {  	s0 =	sadd.s32 $0x8F2B, s0  }
0xbd: {  	[sflag:s0] =	ssyncadd.remote.s32 $0x1  }
0xbe: {  	_ =	sfence.sel $0xFFFF  }
0xbf: {  	[dreg:$0x0] =	wrdreg $0xFFFFFFFF;
	(pc) =	sbr.abs _section_cstart, $3  }
0xc0: {  	[dreg:$0x1] =	wrdreg $0xFFFFFFFF  }
0xc1: {  	_ =	task.clear_ibuf [dreg:s7], $0x2FFFF;
	_ =	strace $0x9FFFFFFF  }
0xc2: {  	(tm) =	ssettm $0x7FFFFFFF  }
0xc3: {  	_ =	shalt  }
tec
execute0_lowered:
.L_overlay_start_1:
0x0: {  	(tag) =	ssettag $0x1  }
0x1: {  	s3 =	rddreg [dreg:$0x0]  }
0x2: {  	s17 =	rddreg [dreg:$0x1];
	s2 =	srdreg.scid  }
0x3: {  	s0 =	rddreg [dreg:$0x2];
	s1 =	stileid.u32;
	s21 =	sand.u32 $0x1, s2  }
0x4: {  	s2 =	simm.s32 $0x0;
	s4 =	sshll.u32 s1, $0x7;
	s5 =	sshll.u32 s21, $0x6  }
0x5: {  	[smem:$0x7FF] =	sst s2;
	s5 =	sor.u32 s5, s4  }
0x6: {  	_ =	strace $0x80000047;
	s4 =	sadd.s32 s3, s5;
	s3 =	simm.s32 $0x2  }
0x7: {  	[tilespmem:s2], [sflag:$0x2] =	stream.linear.gather [hbm4b:s4+s2], $0x200, $0x38;
	[tilespmem:$0x10400] =	vst v63  }
0x8: {  	_ =	swait.ge [sflag:s3], $0x200  }
0x9: {  	s5 =	sadd.s32 s5, s17;
	[sflag:s3] =	ssyncset.done $0x0  }
0xa: {  	s6 =	simm.s32 $0x200;
	s5 =	sadd.s32 $0x8A2200, s5;
	[sflag:s3] =	ssyncadd.s32 $0xFFFFFE00  }
0xb: {  	[tilespmem:s6], [sflag:$0x2] =	stream.linear.gather [hbm4b:s5+s2], $0x200, $0x38;
	[tilespmem:$0x10400] =	vst v63  }
0xc: {  	_ =	swait.ge [sflag:s3], $0x200  }
0xd: {  	s8 =	simm.s32 $0x80;
	[sflag:s3] =	ssyncset.done $0x0  }
0xe: {  	s9 =	simm.s32 $0x400;
	s7 =	sadd.s32 $0x2200, s17;
	[sflag:s3] =	ssyncadd.s32 $0xFFFFFE00  }
0xf: {  	[tilespmem:s9], [sflag:$0x1] =	stream.indirect.gather [hbm4b:s7+s8], $0x80, s2, s8, $0xb8;
	[tilespmem:$0x10400] =	vst v63  }
0x10: {  	s10 =	simm.s32 $0x4400  }
0x11: {  	[tilespmem:s10], [sflag:$0x1] =	stream.indirect.gather [hbm4b:s7+s8], $0x80, s8, s8, $0xb8;
	[tilespmem:$0x10400] =	vst v63  }
0x12: {  	s11 =	simm.s32 $0x100;
	s12 =	simm.s32 $0x8400  }
0x13: {  	[tilespmem:s12], [sflag:$0x1] =	stream.indirect.gather [hbm4b:s7+s8], $0x80, s11, s8, $0xb8;
	[tilespmem:$0x10400] =	vst v63  }
0x14: {  	s13 =	simm.s32 $0x180;
	s14 =	simm.s32 $0xC400;
	s15 =	simm.s32 $0x1  }
0x15: {  	[tilespmem:s14], [sflag:$0x1] =	stream.indirect.gather [hbm4b:s7+s8], $0x80, s13, s8, $0xb8;
	[tilespmem:$0x10400] =	vst v63  }
0x16: {  	_ =	swait.ge [sflag:s15], $0x4000  }
0x17: {  	[sflag:s15] =	ssyncset.done $0x0  }
0x18: {  	[sflag:s15] =	ssyncadd.s32 $0xFFFFC000  }
0x19: {  	_ =	swait.ge [sflag:s15], $0x4000  }
0x1a: {  	[sflag:s15] =	ssyncset.done $0x0  }
0x1b: {  	[sflag:s15] =	ssyncadd.s32 $0xFFFFC000  }
0x1c: {  	_ =	swait.ge [sflag:s15], $0x4000  }
0x1d: {  	[sflag:s15] =	ssyncset.done $0x0  }
0x1e: {  	s16 =	sshll.u32 s1, $0xE;
	s18 =	sshll.u32 s21, $0xD;
	[sflag:s15] =	ssyncadd.s32 $0xFFFFC000  }
0x1f: {  	s16 =	sor.u32 s18, s16;
	_ =	swait.ge [sflag:s15], $0x4000  }
0x20: {  	s22 =	sadd.s32 s16, s17;
	[sflag:s15] =	ssyncset.done $0x0  }
0x21: {  	s16 =	sadd.s32 $0x8A2A00, s22;
	[sflag:s15] =	ssyncadd.s32 $0xFFFFC000  }
0x22: {  	[hbm4b:s16+s2] =	stream.linear.scatter [tilespmem:s9], [sflag:$0x2], $0x10000, $0x38;
	[tilespmem:$0x10400] =	vst v63  }
0x23: {  	_ =	swait.ge [sflag:s3], $0x10000  }
0x24: {  	[sflag:s3] =	ssyncset.done $0x0  }
0x25: {  	s17 =	sadd.s32 $0x7C2200, s17;
	[sflag:s3] =	ssyncadd.s32 $0xFFFF0000  }
0x26: {  	[tilespmem:s9], [sflag:$0x1] =	stream.indirect.gather [hbm4b:s17+s8], $0x80, s6, s8, $0xb8;
	[tilespmem:$0x10400] =	vst v63  }
0x27: {  	s18 =	simm.s32 $0x280  }
0x28: {  	[tilespmem:s10], [sflag:$0x1] =	stream.indirect.gather [hbm4b:s17+s8], $0x80, s18, s8, $0xb8;
	[tilespmem:$0x10400] =	vst v63  }
0x29: {  	s19 =	simm.s32 $0x300  }
0x2a: {  	[tilespmem:s12], [sflag:$0x1] =	stream.indirect.gather [hbm4b:s17+s8], $0x80, s19, s8, $0xb8;
	[tilespmem:$0x10400] =	vst v63  }
0x2b: {  	s20 =	simm.s32 $0x380  }
0x2c: {  	[tilespmem:s14], [sflag:$0x1] =	stream.indirect.gather [hbm4b:s17+s8], $0x80, s20, s8, $0xb8;
	[tilespmem:$0x10400] =	vst v63  }
0x2d: {  	_ =	swait.ge [sflag:s15], $0x4000  }
0x2e: {  	[sflag:s15] =	ssyncset.done $0x0  }
0x2f: {  	[sflag:s15] =	ssyncadd.s32 $0xFFFFC000  }
0x30: {  	_ =	swait.ge [sflag:s15], $0x4000  }
0x31: {  	[sflag:s15] =	ssyncset.done $0x0  }
0x32: {  	s21 =	ssub.s32 $0x2, s21;
	[sflag:s15] =	ssyncadd.s32 $0xFFFFC000  }
0x33: {  	s23 =	sshrl.u32 s21, $0x1;
	_ =	swait.ge [sflag:s15], $0x4000  }
0x34: {  	s23 =	ssub.s32 s21, s23;
	[sflag:s15] =	ssyncset.done $0x0  }
0x35: {  	s31 =	smax.u32 s23, $0x1;
	[sflag:s15] =	ssyncadd.s32 $0xFFFFC000  }
0x36: {  	p0 =	sne.s32 s31, $0x1;
	_ =	swait.ge [sflag:s15], $0x4000  }
.Ltmp0:
0x37: {  	[sflag:s15] =	ssyncset.done $0x0;
	(pc) =	sbr.rel @!p0 .LBB2_2-.Ltmp0, $4  }
0x38: {  	s21 =	sadd.s32 $0x8E2A00, s22;
	[sflag:s15] =	ssyncadd.s32 $0xFFFFC000  }
0x39: {  	[hbm4b:s21+s2] =	stream.linear.scatter [tilespmem:s9], [sflag:$0x2], $0x10000, $0x38;
	[tilespmem:$0x10400] =	vst v63  }
0x3a: {  	_ =	swait.ge [sflag:s3], $0x10000  }
0x3b: {  	s22 =	sadd.s32 $0xFFFFFFFF, s31;
	[sflag:s3] =	ssyncset.done $0x0  }
.LBB2_1:
0x3c: {  	p0 =	sne.s32 s22, $0x1;
	s22 =	sadd.s32 $0xFFFFFFFF, s22;
	[sflag:s3] =	ssyncadd.s32 $0xFFFF0000  }
0x3d: {  	[tilespmem:s2], [sflag:$0x2] =	stream.linear.gather [hbm4b:s4+s2], $0x200, $0x38;
	[tilespmem:$0x10400] =	vst v63  }
0x3e: {  	_ =	swait.ge [sflag:s3], $0x200  }
0x3f: {  	[sflag:s3] =	ssyncset.done $0x0  }
0x40: {  	[sflag:s3] =	ssyncadd.s32 $0xFFFFFE00  }
0x41: {  	[tilespmem:s6], [sflag:$0x2] =	stream.linear.gather [hbm4b:s5+s2], $0x200, $0x38;
	[tilespmem:$0x10400] =	vst v63  }
0x42: {  	_ =	swait.ge [sflag:s3], $0x200  }
0x43: {  	[sflag:s3] =	ssyncset.done $0x0  }
0x44: {  	[sflag:s3] =	ssyncadd.s32 $0xFFFFFE00  }
0x45: {  	[tilespmem:s9], [sflag:$0x1] =	stream.indirect.gather [hbm4b:s7+s8], $0x80, s2, s8, $0xb8;
	[tilespmem:$0x10400] =	vst v63  }
0x46: {  	_ = 	snop  }
0x47: {  	[tilespmem:s10], [sflag:$0x1] =	stream.indirect.gather [hbm4b:s7+s8], $0x80, s8, s8, $0xb8;
	[tilespmem:$0x10400] =	vst v63  }
0x48: {  	_ = 	snop  }
0x49: {  	[tilespmem:s12], [sflag:$0x1] =	stream.indirect.gather [hbm4b:s7+s8], $0x80, s11, s8, $0xb8;
	[tilespmem:$0x10400] =	vst v63  }
0x4a: {  	_ = 	snop  }
0x4b: {  	[tilespmem:s14], [sflag:$0x1] =	stream.indirect.gather [hbm4b:s7+s8], $0x80, s13, s8, $0xb8;
	[tilespmem:$0x10400] =	vst v63  }
0x4c: {  	_ =	swait.ge [sflag:s15], $0x4000  }
0x4d: {  	[sflag:s15] =	ssyncset.done $0x0  }
0x4e: {  	[sflag:s15] =	ssyncadd.s32 $0xFFFFC000  }
0x4f: {  	_ =	swait.ge [sflag:s15], $0x4000  }
0x50: {  	[sflag:s15] =	ssyncset.done $0x0  }
0x51: {  	[sflag:s15] =	ssyncadd.s32 $0xFFFFC000  }
0x52: {  	_ =	swait.ge [sflag:s15], $0x4000  }
0x53: {  	[sflag:s15] =	ssyncset.done $0x0  }
0x54: {  	[sflag:s15] =	ssyncadd.s32 $0xFFFFC000  }
0x55: {  	_ =	swait.ge [sflag:s15], $0x4000  }
0x56: {  	[sflag:s15] =	ssyncset.done $0x0  }
0x57: {  	[sflag:s15] =	ssyncadd.s32 $0xFFFFC000  }
0x58: {  	[hbm4b:s16+s2] =	stream.linear.scatter [tilespmem:s9], [sflag:$0x2], $0x10000, $0x38;
	[tilespmem:$0x10400] =	vst v63  }
0x59: {  	_ =	swait.ge [sflag:s3], $0x10000  }
0x5a: {  	[sflag:s3] =	ssyncset.done $0x0  }
0x5b: {  	[sflag:s3] =	ssyncadd.s32 $0xFFFF0000  }
0x5c: {  	[tilespmem:s9], [sflag:$0x1] =	stream.indirect.gather [hbm4b:s17+s8], $0x80, s6, s8, $0xb8;
	[tilespmem:$0x10400] =	vst v63  }
0x5d: {  	_ = 	snop  }
0x5e: {  	[tilespmem:s10], [sflag:$0x1] =	stream.indirect.gather [hbm4b:s17+s8], $0x80, s18, s8, $0xb8;
	[tilespmem:$0x10400] =	vst v63  }
0x5f: {  	_ = 	snop  }
0x60: {  	[tilespmem:s12], [sflag:$0x1] =	stream.indirect.gather [hbm4b:s17+s8], $0x80, s19, s8, $0xb8;
	[tilespmem:$0x10400] =	vst v63  }
0x61: {  	_ = 	snop  }
0x62: {  	[tilespmem:s14], [sflag:$0x1] =	stream.indirect.gather [hbm4b:s17+s8], $0x80, s20, s8, $0xb8;
	[tilespmem:$0x10400] =	vst v63  }
0x63: {  	_ =	swait.ge [sflag:s15], $0x4000  }
0x64: {  	[sflag:s15] =	ssyncset.done $0x0  }
0x65: {  	[sflag:s15] =	ssyncadd.s32 $0xFFFFC000  }
0x66: {  	_ =	swait.ge [sflag:s15], $0x4000  }
0x67: {  	[sflag:s15] =	ssyncset.done $0x0  }
0x68: {  	[sflag:s15] =	ssyncadd.s32 $0xFFFFC000  }
0x69: {  	_ =	swait.ge [sflag:s15], $0x4000  }
0x6a: {  	[sflag:s15] =	ssyncset.done $0x0  }
0x6b: {  	[sflag:s15] =	ssyncadd.s32 $0xFFFFC000  }
0x6c: {  	_ =	swait.ge [sflag:s15], $0x4000  }
.Ltmp1:
0x6d: {  	[sflag:s15] =	ssyncset.done $0x0;
	(pc) =	sbr.rel @p0 .LBB2_1-.Ltmp1, $4  }
0x6e: {  	[sflag:s15] =	ssyncadd.s32 $0xFFFFC000  }
0x6f: {  	[hbm4b:s21+s2] =	stream.linear.scatter [tilespmem:s9], [sflag:$0x2], $0x10000, $0x38;
	[tilespmem:$0x10400] =	vst v63  }
0x70: {  	_ =	swait.ge [sflag:s3], $0x10000  }
0x71: {  	[sflag:s3] =	ssyncset.done $0x0  }
.LBB2_2:
0x72: {  	[sflag:s3] =	ssyncadd.s32 $0xFFFF0000  }
0x73: {  	_ =	sfence.sel $0x180000  }
0x74: {  	[bflag:$0x0] =	sbarrier.arrive $0xFFFF  }
0x75: {  	p0 =	sne.s32 s1, $0x0;
	_ =	strace $0x90000047  }
0x76: {  	s0 =	sadd.s32 @!p0 $0x100000, s0;
	[bflag:$0x2] =	sbarrier.arrive $0xFFFF  }
0x77: {  	[sflag:s0] =	ssyncadd.tile.s32 @!p0 $0x1;
	_ =	shalt  }
.Lfunc_end2:
_tile_overlayer_lowered:
.L_overlay_start_2:
0x78: {  	(tag) =	ssettag $0x2  }
0x79: {  	s0 =	rddreg [dreg:$0x0];
	s2 =	stileid.u32  }
0x7a: {  	s1 =	rddreg [dreg:$0x1];
	p0 =	sne.s32 s2, $0x0  }
0x7b: {  	s3 =	rddreg [dreg:$0x2];
	[bflag:$0x3] =	sbarrier.arrive $0xFFFF;
	s2 =	simm.s32 @!p0 $0x1C02  }
0x7c: {  	[timem:s3], [sflag:s2] =	dma.local @!p0 [hbm:s0], s1  }
0x7d: {  	s0 =	simm.s32 @!p0 $0x2  }
0x7e: {  	_ =	swait.ge @!p0 [sflag:s0], s1  }
0x7f: {  	s1 =	ssub.s32 @!p0 $0x0, s1;
	[sflag:s0] =	ssyncset.done @!p0 $0x0  }
0x80: {  	[sflag:s0] =	ssyncadd.s32 @!p0 s1  }
0x81: {  	[bflag:$0x3] =	sbarrier.arrive $0xFFFF  }
0x82: {  	_ =	shalt  }

</sc_bundles>
